<compile_context>
chip_gen: v7x
topology: tpu7x:2x2x1
jax: 0.10.2.dev20260603
libtpu: 0.0.44.dev20260713+nightly
codegen_flags: <defaults>
</compile_context>

<pallas_src>
import functools

import jax
import jax.numpy as jnp
from jax import lax
from jax.experimental import pallas as pl
from jax.experimental.pallas import tpu as pltpu
from jax.experimental.pallas import tpu_sc as plsc

_NUM_FIELDS = 26
_FIELD_SIZE = 38462
_BATCH = 16384
_NC, _NS, _LANES = 2, 16, 16
_NW = _NC * _NS
_RPW = _BATCH // _NW
_IPW = _RPW * _NUM_FIELDS
_CHUNK = 128
_NCHUNK = _IPW // _CHUNK
_VOCAB = _NUM_FIELDS * _FIELD_SIZE
_VPAD = (_VOCAB + 127) // 128 * 128
_VSLICE = (_VPAD // _NS + 127) // 128 * 128

_mesh = plsc.VectorSubcoreMesh(
    core_axis_name="c", subcore_axis_name="s",
    num_cores=_NC, num_subcores=_NS,
)


@functools.partial(
    pl.kernel,
    out_type=jax.ShapeDtypeStruct((1, _BATCH), jnp.float32),
    mesh=_mesh,
    scratch_types=[
        pltpu.VMEM((_NUM_FIELDS, _RPW), jnp.int32),
        pltpu.VMEM((_NCHUNK, _CHUNK), jnp.int32),
        pltpu.VMEM((_NUM_FIELDS, _RPW), jnp.float32),
        pltpu.VMEM((_RPW,), jnp.float32),
        pltpu.VMEM((_LANES,), jnp.float32),
        pltpu.VMEM_SHARED((_VPAD,), jnp.float32),
        pltpu.SemaphoreType.DMA,
        pltpu.SemaphoreType.DMA,
    ],
)
def _features_linear_sc(x_hbm, table_hbm, bias_hbm, out_hbm,
                        xw, idxw, valw, acc, biasw, table_sh, gsem, tsem):
    wid = lax.axis_index("s") * _NC + lax.axis_index("c")
    sid = lax.axis_index("s")

    base = pl.multiple_of(
        jnp.minimum(sid * _VSLICE, _VPAD - _VSLICE), 128)
    tcopy = pltpu.make_async_copy(table_hbm.at[0, pl.ds(base, _VSLICE)],
                                  table_sh.at[pl.ds(base, _VSLICE)], tsem)
    tcopy.start()
    pltpu.sync_copy(x_hbm.at[:, pl.ds(wid * _RPW, _RPW)], xw)
    pltpu.sync_copy(bias_hbm, biasw.at[pl.ds(0, 1)])
    table1d = table_sh

    def _idx_body(c, carry):
        f = c >> 2
        col = (c & 3) * _CHUNK
        offv = jnp.zeros((_LANES,), jnp.int32) + f * _FIELD_SIZE
        for t in range(_CHUNK // _LANES):
            sl = pl.ds(t * _LANES, _LANES)
            idxw[c, sl] = xw[f, pl.ds(col + t * _LANES, _LANES)] + offv
        return carry
    lax.fori_loop(0, _NCHUNK, _idx_body, 0)

    tcopy.wait()
    plsc.subcore_barrier()

    def _gfire(c, carry):
        f = c >> 2
        col = (c & 3) * _CHUNK
        pltpu.make_async_copy(table1d.at[idxw.at[c]],
                              valw.at[f, pl.ds(col, _CHUNK)], gsem).start()
        return carry
    lax.fori_loop(0, _NCHUNK, _gfire, 0)

    def _gdrain(c, carry):
        f = c >> 2
        col = (c & 3) * _CHUNK
        pltpu.make_async_copy(table1d.at[idxw.at[c]],
                              valw.at[f, pl.ds(col, _CHUNK)], gsem).wait()
        return carry
    lax.fori_loop(0, _NCHUNK, _gdrain, 0)

    bias_vec = jnp.zeros((_LANES,), jnp.float32) + biasw[...][0]

    def _red_body(j, carry):
        sl = pl.ds(j * _LANES, _LANES)
        v0 = bias_vec
        v1 = valw[1, sl]
        for f in range(2, _NUM_FIELDS, 2):
            v0 = v0 + valw[f, sl]
            v1 = v1 + valw[f + 1, sl]
        acc[sl] = (v0 + valw[0, sl]) + v1
        return carry
    lax.fori_loop(0, _RPW // _LANES, _red_body, 0)

    pltpu.sync_copy(acc, out_hbm.at[0, pl.ds(wid * _RPW, _RPW)])


def kernel(x, table, bias):
    x_t = x.T
    table_t = table.T

    out = _features_linear_sc(x_t, table_t, bias.astype(jnp.float32))
    return out.reshape(_BATCH, 1)

# --- scband reference (transcript-rebuilt; emitter-appended) ---
"""Pipeline reference for scband-features-linear-81235011436718 (READ-ONLY COPY).

The authoritative reference and input builder live on the scoring server;
editing this copy changes nothing except your own understanding.
"""

import jax, jax.numpy as jnp
import numpy as np

FIELD_DIMS = [38462] * 26
TOTAL_VOCAB = int(sum(FIELD_DIMS))
BATCH = 16384


def setup_inputs(seed: int = 0) -> dict:
    key = jax.random.key(seed)
    k1, k2 = jax.random.split(key, 2)
    x = jax.random.randint(k1, (BATCH, 26), 0, 38462, dtype=jnp.int32)
    table = jax.random.normal(k2, (TOTAL_VOCAB, 1), dtype=jnp.float32) * 0.01
    bias = jnp.zeros((1,), dtype=jnp.float32)
    return {"x": x, "table": table, "bias": bias}


def reference(x, table, bias):
    # offsets = (0, *cumsum(field_dims)[:-1])
    offsets_np = np.concatenate(([0], np.cumsum(np.array(FIELD_DIMS, dtype=np.int64))[:-1]))
    offsets = jnp.asarray(offsets_np, dtype=x.dtype)
    xi = x + offsets[None, :]              # [B, F] global ids
    emb = jnp.take(table, xi, axis=0)      # [B, F, 1] embedding gather
    out = jnp.sum(emb, axis=1) + bias      # [B, 1]
    return out

if __name__ == "__main__":
    import jax
    _d = setup_inputs()
    print(jax.jit(kernel)(*tuple(_d.values())))

</pallas_src>

<mosaic_0001>
#map = affine_map<(d0, d1) -> (0, 0)>
#map1 = affine_map<(d0, d1) -> (0)>
module attributes {stable_mosaic.version = 14 : i64} {
  func.func @_features_linear_sc(%arg0: i32, %arg1: i32, %arg2: memref<26x16384xi32, #tpu.memory_space<hbm>>, %arg3: memref<1x1000012xf32, #tpu.memory_space<hbm>>, %arg4: memref<1xf32, #tpu.memory_space<hbm>>, %arg5: memref<1x16384xf32, #tpu.memory_space<hbm>>, %arg6: memref<26x512xi32, #tpu.memory_space<vmem>>, %arg7: memref<104x128xi32, #tpu.memory_space<vmem>>, %arg8: memref<26x512xf32, #tpu.memory_space<vmem>>, %arg9: memref<512xf32, #tpu.memory_space<vmem>>, %arg10: memref<16xf32, #tpu.memory_space<vmem>>, %arg11: memref<1000064xf32, #tpu.memory_space<vmem_shared>>, %arg12: memref<!tpu.dma_semaphore, #tpu.memory_space<semaphore_mem>>, %arg13: memref<!tpu.dma_semaphore, #tpu.memory_space<semaphore_mem>>) attributes {dimension_semantics = [#tpu.dimension_semantics<core_parallel>, #tpu.dimension_semantics<subcore_parallel>], iteration_bounds = array<i64: 2, 16>, scalar_prefetch = 0 : i64, scratch_operands = 8 : i64, tpu.core_type = #tpu.core_type<sc_vector_subcore>, window_params = [{transform_indices = #map}, {transform_indices = #map}, {transform_indices = #map1}, {transform_indices = #map}]} {
    %mul3A = arith.constant 2 : i32
    %mul3A_0 = arith.muli %arg1, %mul3A : i32
    %add3A = arith.addi %mul3A_0, %arg0 : i32
    %mul3A_1 = arith.constant 62592 : i32
    %mul3A_2 = arith.muli %arg1, %mul3A_1 : i32
    %min3A = arith.constant 937472 : i32
    %min3A_3 = arith.minsi %mul3A_2, %min3A : i32
    %multiple_of3A = tpu.assume_multiple %min3A_3, 128 : i32
    %dma_start3A = arith.constant 0 : i32
    %dma_start3A_4 = tpu.memref_slice %arg11[%multiple_of3A] : memref<1000064xf32, #tpu.memory_space<vmem_shared>> -> memref<62592xf32, #tpu.memory_space<vmem_shared>>
    %dma_start3A_5 = tpu.memref_slice %arg3[%dma_start3A, %multiple_of3A] : memref<1x1000012xf32, #tpu.memory_space<hbm>> -> memref<1x62592xf32, #tpu.memory_space<hbm>>
    %dma_start3A_6 = tpu.memref_squeeze %dma_start3A_5 : memref<1x62592xf32, #tpu.memory_space<hbm>> -> memref<62592xf32, #tpu.memory_space<hbm>>
    tpu.enqueue_dma source(%dma_start3A_6 : memref<62592xf32, #tpu.memory_space<hbm>>) target(%dma_start3A_4 : memref<62592xf32, #tpu.memory_space<vmem_shared>>) target_semaphore(%arg13 : memref<!tpu.dma_semaphore, #tpu.memory_space<semaphore_mem>>)
    %mul3A_7 = arith.constant 512 : i32
    %mul3A_8 = arith.muli %add3A, %mul3A_7 : i32
    "tpu.region"() ({
      %run_scoped3A_42 = tpu.sem_alloc : memref<!tpu.dma_semaphore, #tpu.memory_space<semaphore_mem>>
      %dma_start3A_43 = arith.constant 0 : i32
      %dma_start3A_44 = tpu.memref_slice %arg2[%dma_start3A_43, %mul3A_8] : memref<26x16384xi32, #tpu.memory_space<hbm>> -> memref<26x512xi32, #tpu.memory_space<hbm>>
      %dma_start3A_45 = arith.constant 0 : i32
      %dma_start3A_46 = tpu.memref_slice %arg2[%dma_start3A_45, %mul3A_8] : memref<26x16384xi32, #tpu.memory_space<hbm>> -> memref<26x512xi32, #tpu.memory_space<hbm>>
      tpu.enqueue_dma source(%dma_start3A_46 : memref<26x512xi32, #tpu.memory_space<hbm>>) target(%arg6 : memref<26x512xi32, #tpu.memory_space<vmem>>) target_semaphore(%run_scoped3A_42 : memref<!tpu.dma_semaphore, #tpu.memory_space<semaphore_mem>>)
      %dma_wait3A_47 = arith.constant 0 : i32
      %dma_wait3A_48 = tpu.memref_slice %arg2[%dma_wait3A_47, %mul3A_8] : memref<26x16384xi32, #tpu.memory_space<hbm>> -> memref<26x512xi32, #tpu.memory_space<hbm>>
      %dma_wait3A_49 = arith.constant 0 : i32
      %dma_wait3A_50 = tpu.memref_slice %arg2[%dma_wait3A_49, %mul3A_8] : memref<26x16384xi32, #tpu.memory_space<hbm>> -> memref<26x512xi32, #tpu.memory_space<hbm>>
      tpu.wait_dma2 semaphore(%run_scoped3A_42 : memref<!tpu.dma_semaphore, #tpu.memory_space<semaphore_mem>>) src(%dma_wait3A_50 : memref<26x512xi32, #tpu.memory_space<hbm>>) dst(%arg6 : memref<26x512xi32, #tpu.memory_space<vmem>>)
      tpu.yield
    }) : () -> ()
    "tpu.region"() ({
      %run_scoped3A_42 = tpu.sem_alloc : memref<!tpu.dma_semaphore, #tpu.memory_space<semaphore_mem>>
      %dma_start3A_43 = arith.constant 0 : i32
      %dma_start3A_44 = tpu.memref_slice %arg10[%dma_start3A_43] : memref<16xf32, #tpu.memory_space<vmem>> -> memref<1xf32, #tpu.memory_space<vmem>>
      %dma_start3A_45 = arith.constant 0 : i32
      %dma_start3A_46 = tpu.memref_slice %arg10[%dma_start3A_45] : memref<16xf32, #tpu.memory_space<vmem>> -> memref<1xf32, #tpu.memory_space<vmem>>
      tpu.enqueue_dma source(%arg4 : memref<1xf32, #tpu.memory_space<hbm>>) target(%dma_start3A_46 : memref<1xf32, #tpu.memory_space<vmem>>) target_semaphore(%run_scoped3A_42 : memref<!tpu.dma_semaphore, #tpu.memory_space<semaphore_mem>>)
      %dma_wait3A_47 = arith.constant 0 : i32
      %dma_wait3A_48 = tpu.memref_slice %arg10[%dma_wait3A_47] : memref<16xf32, #tpu.memory_space<vmem>> -> memref<1xf32, #tpu.memory_space<vmem>>
      %dma_wait3A_49 = arith.constant 0 : i32
      %dma_wait3A_50 = tpu.memref_slice %arg10[%dma_wait3A_49] : memref<16xf32, #tpu.memory_space<vmem>> -> memref<1xf32, #tpu.memory_space<vmem>>
      tpu.wait_dma2 semaphore(%run_scoped3A_42 : memref<!tpu.dma_semaphore, #tpu.memory_space<semaphore_mem>>) src(%arg4 : memref<1xf32, #tpu.memory_space<hbm>>) dst(%dma_wait3A_50 : memref<1xf32, #tpu.memory_space<vmem>>)
      tpu.yield
    }) : () -> ()
    %scan3A = arith.constant 0 : i32
    %scan3A_9 = arith.constant 0 : i32
    %scan3A_10 = arith.constant 104 : i32
    %scan3A_11 = arith.addi %scan3A_9, %scan3A_10 : i32
    %scan3A_12 = arith.constant 1 : i32
    scf.for %scan3A_42 = %scan3A_9 to %scan3A_11 step %scan3A_12  : i32 {
      %shift_right_arithmetic3A = arith.constant 2 : i32
      %shift_right_arithmetic3A_43 = arith.shrsi %scan3A_42, %shift_right_arithmetic3A : i32
      %and3A = arith.constant 3 : i32
      %and3A_44 = arith.andi %scan3A_42, %and3A : i32
      %mul3A_45 = arith.constant 128 : i32
      %mul3A_46 = arith.muli %and3A_44, %mul3A_45 : i32
      %broadcast_in_dim3A_47 = arith.constant 0 : i32
      %broadcast_in_dim3A_48 = vector.broadcast %broadcast_in_dim3A_47 : i32 to vector<16xi32>
      %mul3A_49 = arith.constant 38462 : i32
      %mul3A_50 = arith.muli %shift_right_arithmetic3A_43, %mul3A_49 : i32
      %add3A_51 = vector.broadcast %mul3A_50 : i32 to vector<16xi32>
      %add3A_52 = arith.addi %broadcast_in_dim3A_48, %add3A_51 : vector<16xi32>
      %add3A_53 = arith.constant 0 : i32
      %add3A_54 = arith.addi %mul3A_46, %add3A_53 : i32
      %get3A_55 = arith.index_cast %shift_right_arithmetic3A_43 : i32 to index
      %get3A_56 = arith.index_cast %add3A_54 : i32 to index
      %get3A_57 = tpu.vector_load %arg6[%get3A_55, %get3A_56] {strides = array<i32>} : memref<26x512xi32, #tpu.memory_space<vmem>>, vector<1x16xi32>,
      %get3A_58 = vector.shape_cast %get3A_57 : vector<1x16xi32> to vector<16xi32>
      %add3A_59 = arith.addi %get3A_58, %add3A_52 : vector<16xi32>
      %swap3A = arith.index_cast %scan3A_42 : i32 to index
      %swap3A_60 = arith.constant 0 : index
      %swap3A_61 = tpu.vector_load %arg7[%swap3A, %swap3A_60] {strides = array<i32>} : memref<104x128xi32, #tpu.memory_space<vmem>>, vector<1x16xi32>,
      %swap3A_62 = vector.shape_cast %swap3A_61 : vector<1x16xi32> to vector<16xi32>
      %swap3A_63 = vector.shape_cast %add3A_59 : vector<16xi32> to vector<1x16xi32>
      tpu.vector_store %arg7[%swap3A, %swap3A_60], %swap3A_63 {strides = array<i32>} : memref<104x128xi32, #tpu.memory_space<vmem>>, vector<1x16xi32>,
      %add3A_64 = arith.constant 16 : i32
      %add3A_65 = arith.addi %mul3A_46, %add3A_64 : i32
      %get3A_66 = arith.index_cast %shift_right_arithmetic3A_43 : i32 to index
      %get3A_67 = arith.index_cast %add3A_65 : i32 to index
      %get3A_68 = tpu.vector_load %arg6[%get3A_66, %get3A_67] {strides = array<i32>} : memref<26x512xi32, #tpu.memory_space<vmem>>, vector<1x16xi32>,
      %get3A_69 = vector.shape_cast %get3A_68 : vector<1x16xi32> to vector<16xi32>
      %add3A_70 = arith.addi %get3A_69, %add3A_52 : vector<16xi32>
      %swap3A_71 = arith.index_cast %scan3A_42 : i32 to index
      %swap3A_72 = arith.constant 16 : index
      %swap3A_73 = tpu.vector_load %arg7[%swap3A_71, %swap3A_72] {strides = array<i32>} : memref<104x128xi32, #tpu.memory_space<vmem>>, vector<1x16xi32>,
      %swap3A_74 = vector.shape_cast %swap3A_73 : vector<1x16xi32> to vector<16xi32>
      %swap3A_75 = vector.shape_cast %add3A_70 : vector<16xi32> to vector<1x16xi32>
      tpu.vector_store %arg7[%swap3A_71, %swap3A_72], %swap3A_75 {strides = array<i32>} : memref<104x128xi32, #tpu.memory_space<vmem>>, vector<1x16xi32>,
      %add3A_76 = arith.constant 32 : i32
      %add3A_77 = arith.addi %mul3A_46, %add3A_76 : i32
      %get3A_78 = arith.index_cast %shift_right_arithmetic3A_43 : i32 to index
      %get3A_79 = arith.index_cast %add3A_77 : i32 to index
      %get3A_80 = tpu.vector_load %arg6[%get3A_78, %get3A_79] {strides = array<i32>} : memref<26x512xi32, #tpu.memory_space<vmem>>, vector<1x16xi32>,
      %get3A_81 = vector.shape_cast %get3A_80 : vector<1x16xi32> to vector<16xi32>
      %add3A_82 = arith.addi %get3A_81, %add3A_52 : vector<16xi32>
      %swap3A_83 = arith.index_cast %scan3A_42 : i32 to index
      %swap3A_84 = arith.constant 32 : index
      %swap3A_85 = tpu.vector_load %arg7[%swap3A_83, %swap3A_84] {strides = array<i32>} : memref<104x128xi32, #tpu.memory_space<vmem>>, vector<1x16xi32>,
      %swap3A_86 = vector.shape_cast %swap3A_85 : vector<1x16xi32> to vector<16xi32>
      %swap3A_87 = vector.shape_cast %add3A_82 : vector<16xi32> to vector<1x16xi32>
      tpu.vector_store %arg7[%swap3A_83, %swap3A_84], %swap3A_87 {strides = array<i32>} : memref<104x128xi32, #tpu.memory_space<vmem>>, vector<1x16xi32>,
      %add3A_88 = arith.constant 48 : i32
      %add3A_89 = arith.addi %mul3A_46, %add3A_88 : i32
      %get3A_90 = arith.index_cast %shift_right_arithmetic3A_43 : i32 to index
      %get3A_91 = arith.index_cast %add3A_89 : i32 to index
      %get3A_92 = tpu.vector_load %arg6[%get3A_90, %get3A_91] {strides = array<i32>} : memref<26x512xi32, #tpu.memory_space<vmem>>, vector<1x16xi32>,
      %get3A_93 = vector.shape_cast %get3A_92 : vector<1x16xi32> to vector<16xi32>
      %add3A_94 = arith.addi %get3A_93, %add3A_52 : vector<16xi32>
      %swap3A_95 = arith.index_cast %scan3A_42 : i32 to index
      %swap3A_96 = arith.constant 48 : index
      %swap3A_97 = tpu.vector_load %arg7[%swap3A_95, %swap3A_96] {strides = array<i32>} : memref<104x128xi32, #tpu.memory_space<vmem>>, vector<1x16xi32>,
      %swap3A_98 = vector.shape_cast %swap3A_97 : vector<1x16xi32> to vector<16xi32>
      %swap3A_99 = vector.shape_cast %add3A_94 : vector<16xi32> to vector<1x16xi32>
      tpu.vector_store %arg7[%swap3A_95, %swap3A_96], %swap3A_99 {strides = array<i32>} : memref<104x128xi32, #tpu.memory_space<vmem>>, vector<1x16xi32>,
      %add3A_100 = arith.constant 64 : i32
      %add3A_101 = arith.addi %mul3A_46, %add3A_100 : i32
      %get3A_102 = arith.index_cast %shift_right_arithmetic3A_43 : i32 to index
      %get3A_103 = arith.index_cast %add3A_101 : i32 to index
      %get3A_104 = tpu.vector_load %arg6[%get3A_102, %get3A_103] {strides = array<i32>} : memref<26x512xi32, #tpu.memory_space<vmem>>, vector<1x16xi32>,
      %get3A_105 = vector.shape_cast %get3A_104 : vector<1x16xi32> to vector<16xi32>
      %add3A_106 = arith.addi %get3A_105, %add3A_52 : vector<16xi32>
      %swap3A_107 = arith.index_cast %scan3A_42 : i32 to index
      %swap3A_108 = arith.constant 64 : index
      %swap3A_109 = tpu.vector_load %arg7[%swap3A_107, %swap3A_108] {strides = array<i32>} : memref<104x128xi32, #tpu.memory_space<vmem>>, vector<1x16xi32>,
      %swap3A_110 = vector.shape_cast %swap3A_109 : vector<1x16xi32> to vector<16xi32>
      %swap3A_111 = vector.shape_cast %add3A_106 : vector<16xi32> to vector<1x16xi32>
      tpu.vector_store %arg7[%swap3A_107, %swap3A_108], %swap3A_111 {strides = array<i32>} : memref<104x128xi32, #tpu.memory_space<vmem>>, vector<1x16xi32>,
      %add3A_112 = arith.constant 80 : i32
      %add3A_113 = arith.addi %mul3A_46, %add3A_112 : i32
      %get3A_114 = arith.index_cast %shift_right_arithmetic3A_43 : i32 to index
      %get3A_115 = arith.index_cast %add3A_113 : i32 to index
      %get3A_116 = tpu.vector_load %arg6[%get3A_114, %get3A_115] {strides = array<i32>} : memref<26x512xi32, #tpu.memory_space<vmem>>, vector<1x16xi32>,
      %get3A_117 = vector.shape_cast %get3A_116 : vector<1x16xi32> to vector<16xi32>
      %add3A_118 = arith.addi %get3A_117, %add3A_52 : vector<16xi32>
      %swap3A_119 = arith.index_cast %scan3A_42 : i32 to index
      %swap3A_120 = arith.constant 80 : index
      %swap3A_121 = tpu.vector_load %arg7[%swap3A_119, %swap3A_120] {strides = array<i32>} : memref<104x128xi32, #tpu.memory_space<vmem>>, vector<1x16xi32>,
      %swap3A_122 = vector.shape_cast %swap3A_121 : vector<1x16xi32> to vector<16xi32>
      %swap3A_123 = vector.shape_cast %add3A_118 : vector<16xi32> to vector<1x16xi32>
      tpu.vector_store %arg7[%swap3A_119, %swap3A_120], %swap3A_123 {strides = array<i32>} : memref<104x128xi32, #tpu.memory_space<vmem>>, vector<1x16xi32>,
      %add3A_124 = arith.constant 96 : i32
      %add3A_125 = arith.addi %mul3A_46, %add3A_124 : i32
      %get3A_126 = arith.index_cast %shift_right_arithmetic3A_43 : i32 to index
      %get3A_127 = arith.index_cast %add3A_125 : i32 to index
      %get3A_128 = tpu.vector_load %arg6[%get3A_126, %get3A_127] {strides = array<i32>} : memref<26x512xi32, #tpu.memory_space<vmem>>, vector<1x16xi32>,
      %get3A_129 = vector.shape_cast %get3A_128 : vector<1x16xi32> to vector<16xi32>
      %add3A_130 = arith.addi %get3A_129, %add3A_52 : vector<16xi32>
      %swap3A_131 = arith.index_cast %scan3A_42 : i32 to index
      %swap3A_132 = arith.constant 96 : index
      %swap3A_133 = tpu.vector_load %arg7[%swap3A_131, %swap3A_132] {strides = array<i32>} : memref<104x128xi32, #tpu.memory_space<vmem>>, vector<1x16xi32>,
      %swap3A_134 = vector.shape_cast %swap3A_133 : vector<1x16xi32> to vector<16xi32>
      %swap3A_135 = vector.shape_cast %add3A_130 : vector<16xi32> to vector<1x16xi32>
      tpu.vector_store %arg7[%swap3A_131, %swap3A_132], %swap3A_135 {strides = array<i32>} : memref<104x128xi32, #tpu.memory_space<vmem>>, vector<1x16xi32>,
      %add3A_136 = arith.constant 112 : i32
      %add3A_137 = arith.addi %mul3A_46, %add3A_136 : i32
      %get3A_138 = arith.index_cast %shift_right_arithmetic3A_43 : i32 to index
      %get3A_139 = arith.index_cast %add3A_137 : i32 to index
      %get3A_140 = tpu.vector_load %arg6[%get3A_138, %get3A_139] {strides = array<i32>} : memref<26x512xi32, #tpu.memory_space<vmem>>, vector<1x16xi32>,
      %get3A_141 = vector.shape_cast %get3A_140 : vector<1x16xi32> to vector<16xi32>
      %add3A_142 = arith.addi %get3A_141, %add3A_52 : vector<16xi32>
      %swap3A_143 = arith.index_cast %scan3A_42 : i32 to index
      %swap3A_144 = arith.constant 112 : index
      %swap3A_145 = tpu.vector_load %arg7[%swap3A_143, %swap3A_144] {strides = array<i32>} : memref<104x128xi32, #tpu.memory_space<vmem>>, vector<1x16xi32>,
      %swap3A_146 = vector.shape_cast %swap3A_145 : vector<1x16xi32> to vector<16xi32>
      %swap3A_147 = vector.shape_cast %add3A_142 : vector<16xi32> to vector<1x16xi32>
      tpu.vector_store %arg7[%swap3A_143, %swap3A_144], %swap3A_147 {strides = array<i32>} : memref<104x128xi32, #tpu.memory_space<vmem>>, vector<1x16xi32>,
    }
    %scan3A_13 = arith.constant 104 : i32
    %dma_wait3A = arith.constant 0 : i32
    %dma_wait3A_14 = tpu.memref_slice %arg11[%multiple_of3A] : memref<1000064xf32, #tpu.memory_space<vmem_shared>> -> memref<62592xf32, #tpu.memory_space<vmem_shared>>
    %dma_wait3A_15 = tpu.memref_slice %arg3[%dma_wait3A, %multiple_of3A] : memref<1x1000012xf32, #tpu.memory_space<hbm>> -> memref<1x62592xf32, #tpu.memory_space<hbm>>
    %dma_wait3A_16 = tpu.memref_squeeze %dma_wait3A_15 : memref<1x62592xf32, #tpu.memory_space<hbm>> -> memref<62592xf32, #tpu.memory_space<hbm>>
    tpu.wait_dma2 semaphore(%arg13 : memref<!tpu.dma_semaphore, #tpu.memory_space<semaphore_mem>>) src(%dma_wait3A_16 : memref<62592xf32, #tpu.memory_space<hbm>>) dst(%dma_wait3A_14 : memref<62592xf32, #tpu.memory_space<vmem_shared>>)
    %barrier3A = arith.constant 0 : index
    tpu.barrier barrier_id(%barrier3A)
    %scan3A_17 = arith.constant 0 : i32
    %scan3A_18 = arith.constant 0 : i32
    %scan3A_19 = arith.constant 104 : i32
    %scan3A_20 = arith.addi %scan3A_18, %scan3A_19 : i32
    %scan3A_21 = arith.constant 1 : i32
    scf.for %scan3A_42 = %scan3A_18 to %scan3A_20 step %scan3A_21  : i32 {
      %shift_right_arithmetic3A = arith.constant 2 : i32
      %shift_right_arithmetic3A_43 = arith.shrsi %scan3A_42, %shift_right_arithmetic3A : i32
      %and3A = arith.constant 3 : i32
      %and3A_44 = arith.andi %scan3A_42, %and3A : i32
      %mul3A_45 = arith.constant 128 : i32
      %mul3A_46 = arith.muli %and3A_44, %mul3A_45 : i32
      %dma_start3A_47 = tpu.memref_slice %arg8[%shift_right_arithmetic3A_43, %mul3A_46] : memref<26x512xf32, #tpu.memory_space<vmem>> -> memref<1x128xf32, #tpu.memory_space<vmem>>
      %dma_start3A_48 = tpu.memref_squeeze %dma_start3A_47 : memref<1x128xf32, #tpu.memory_space<vmem>> -> memref<128xf32, #tpu.memory_space<vmem>>
      %dma_start3A_49 = arith.constant 0 : i32
      %dma_start3A_50 = tpu.memref_slice %arg7[%scan3A_42, %dma_start3A_49] : memref<104x128xi32, #tpu.memory_space<vmem>> -> memref<1x128xi32, #tpu.memory_space<vmem>>
      %dma_start3A_51 = tpu.memref_squeeze %dma_start3A_50 : memref<1x128xi32, #tpu.memory_space<vmem>> -> memref<128xi32, #tpu.memory_space<vmem>>
      %dma_start3A_52 = arith.constant 0 : i32
      %dma_start3A_53 = tpu.memref_slice %arg11[%dma_start3A_52] : memref<1000064xf32, #tpu.memory_space<vmem_shared>> -> memref<1000064xf32, #tpu.memory_space<vmem_shared>>
      tpu.enqueue_indirect_dma source(%dma_start3A_53 : memref<1000064xf32, #tpu.memory_space<vmem_shared>>) target(%dma_start3A_48 : memref<128xf32, #tpu.memory_space<vmem>>) offsets(%dma_start3A_51 : memref<128xi32, #tpu.memory_space<vmem>>) semaphore(%arg12 : memref<!tpu.dma_semaphore, #tpu.memory_space<semaphore_mem>>)
    }
    %scan3A_22 = arith.constant 104 : i32
    %scan3A_23 = arith.constant 0 : i32
    %scan3A_24 = arith.constant 0 : i32
    %scan3A_25 = arith.constant 104 : i32
    %scan3A_26 = arith.addi %scan3A_24, %scan3A_25 : i32
    %scan3A_27 = arith.constant 1 : i32
    scf.for %scan3A_42 = %scan3A_24 to %scan3A_26 step %scan3A_27  : i32 {
      %shift_right_arithmetic3A = arith.constant 2 : i32
      %shift_right_arithmetic3A_43 = arith.shrsi %scan3A_42, %shift_right_arithmetic3A : i32
      %and3A = arith.constant 3 : i32
      %and3A_44 = arith.andi %scan3A_42, %and3A : i32
      %mul3A_45 = arith.constant 128 : i32
      %mul3A_46 = arith.muli %and3A_44, %mul3A_45 : i32
      %dma_wait3A_47 = tpu.memref_slice %arg8[%shift_right_arithmetic3A_43, %mul3A_46] : memref<26x512xf32, #tpu.memory_space<vmem>> -> memref<1x128xf32, #tpu.memory_space<vmem>>
      %dma_wait3A_48 = tpu.memref_squeeze %dma_wait3A_47 : memref<1x128xf32, #tpu.memory_space<vmem>> -> memref<128xf32, #tpu.memory_space<vmem>>
      %dma_wait3A_49 = arith.constant 0 : i32
      %dma_wait3A_50 = tpu.memref_slice %arg7[%scan3A_42, %dma_wait3A_49] : memref<104x128xi32, #tpu.memory_space<vmem>> -> memref<1x128xi32, #tpu.memory_space<vmem>>
      %dma_wait3A_51 = tpu.memref_squeeze %dma_wait3A_50 : memref<1x128xi32, #tpu.memory_space<vmem>> -> memref<128xi32, #tpu.memory_space<vmem>>
      %dma_wait3A_52 = arith.constant 0 : i32
      %dma_wait3A_53 = tpu.memref_slice %arg11[%dma_wait3A_52] : memref<1000064xf32, #tpu.memory_space<vmem_shared>> -> memref<1000064xf32, #tpu.memory_space<vmem_shared>>
      tpu.wait_indirect_dma semaphore(%arg12 : memref<!tpu.dma_semaphore, #tpu.memory_space<semaphore_mem>>) src(%dma_wait3A_53 : memref<1000064xf32, #tpu.memory_space<vmem_shared>>) dst(%dma_wait3A_48 : memref<128xf32, #tpu.memory_space<vmem>>)
    }
    %scan3A_28 = arith.constant 104 : i32
    %broadcast_in_dim3A = arith.constant 0.000000e+00 : f32
    %broadcast_in_dim3A_29 = vector.broadcast %broadcast_in_dim3A : f32 to vector<16xf32>
    %get3A = arith.constant 0 : index
    %get3A_30 = tpu.vector_load %arg10[%get3A] {strides = array<i32>} : memref<16xf32, #tpu.memory_space<vmem>>, vector<16xf32>,
    %get3A_31 = vector.shape_cast %get3A_30 : vector<16xf32> to vector<16xf32>
    %slice3A = vector.extract_strided_slice %get3A_31 {offsets = [0], sizes = [1], strides = [1]} : vector<16xf32> to vector<1xf32>
    %squeeze3A = vector.extract %slice3A[0] : f32 from vector<1xf32>
    %add3A_32 = vector.broadcast %squeeze3A : f32 to vector<16xf32>
    %add3A_33 = arith.addf %broadcast_in_dim3A_29, %add3A_32 : vector<16xf32>
    %scan3A_34 = arith.constant 0 : i32
    %scan3A_35 = arith.constant 0 : i32
    %scan3A_36 = arith.constant 32 : i32
    %scan3A_37 = arith.addi %scan3A_35, %scan3A_36 : i32
    %scan3A_38 = arith.constant 1 : i32
    scf.for %scan3A_42 = %scan3A_35 to %scan3A_37 step %scan3A_38  : i32 {
      %mul3A_43 = arith.constant 16 : i32
      %mul3A_44 = arith.muli %scan3A_42, %mul3A_43 : i32
      %get3A_45 = arith.constant 1 : i32
      %get3A_46 = arith.index_cast %get3A_45 : i32 to index
      %get3A_47 = arith.index_cast %mul3A_44 : i32 to index
      %get3A_48 = tpu.vector_load %arg8[%get3A_46, %get3A_47] {strides = array<i32>} : memref<26x512xf32, #tpu.memory_space<vmem>>, vector<1x16xf32>,
      %get3A_49 = vector.shape_cast %get3A_48 : vector<1x16xf32> to vector<16xf32>
      %get3A_50 = arith.constant 2 : i32
      %get3A_51 = arith.index_cast %get3A_50 : i32 to index
      %get3A_52 = arith.index_cast %mul3A_44 : i32 to index
      %get3A_53 = tpu.vector_load %arg8[%get3A_51, %get3A_52] {strides = array<i32>} : memref<26x512xf32, #tpu.memory_space<vmem>>, vector<1x16xf32>,
      %get3A_54 = vector.shape_cast %get3A_53 : vector<1x16xf32> to vector<16xf32>
      %add3A_55 = arith.addf %add3A_33, %get3A_54 : vector<16xf32>
      %get3A_56 = arith.constant 3 : i32
      %get3A_57 = arith.index_cast %get3A_56 : i32 to index
      %get3A_58 = arith.index_cast %mul3A_44 : i32 to index
      %get3A_59 = tpu.vector_load %arg8[%get3A_57, %get3A_58] {strides = array<i32>} : memref<26x512xf32, #tpu.memory_space<vmem>>, vector<1x16xf32>,
      %get3A_60 = vector.shape_cast %get3A_59 : vector<1x16xf32> to vector<16xf32>
      %add3A_61 = arith.addf %get3A_49, %get3A_60 : vector<16xf32>
      %get3A_62 = arith.constant 4 : i32
      %get3A_63 = arith.index_cast %get3A_62 : i32 to index
      %get3A_64 = arith.index_cast %mul3A_44 : i32 to index
      %get3A_65 = tpu.vector_load %arg8[%get3A_63, %get3A_64] {strides = array<i32>} : memref<26x512xf32, #tpu.memory_space<vmem>>, vector<1x16xf32>,
      %get3A_66 = vector.shape_cast %get3A_65 : vector<1x16xf32> to vector<16xf32>
      %add3A_67 = arith.addf %add3A_55, %get3A_66 : vector<16xf32>
      %get3A_68 = arith.constant 5 : i32
      %get3A_69 = arith.index_cast %get3A_68 : i32 to index
      %get3A_70 = arith.index_cast %mul3A_44 : i32 to index
      %get3A_71 = tpu.vector_load %arg8[%get3A_69, %get3A_70] {strides = array<i32>} : memref<26x512xf32, #tpu.memory_space<vmem>>, vector<1x16xf32>,
      %get3A_72 = vector.shape_cast %get3A_71 : vector<1x16xf32> to vector<16xf32>
      %add3A_73 = arith.addf %add3A_61, %get3A_72 : vector<16xf32>
      %get3A_74 = arith.constant 6 : i32
      %get3A_75 = arith.index_cast %get3A_74 : i32 to index
      %get3A_76 = arith.index_cast %mul3A_44 : i32 to index
      %get3A_77 = tpu.vector_load %arg8[%get3A_75, %get3A_76] {strides = array<i32>} : memref<26x512xf32, #tpu.memory_space<vmem>>, vector<1x16xf32>,
      %get3A_78 = vector.shape_cast %get3A_77 : vector<1x16xf32> to vector<16xf32>
      %add3A_79 = arith.addf %add3A_67, %get3A_78 : vector<16xf32>
      %get3A_80 = arith.constant 7 : i32
      %get3A_81 = arith.index_cast %get3A_80 : i32 to index
      %get3A_82 = arith.index_cast %mul3A_44 : i32 to index
      %get3A_83 = tpu.vector_load %arg8[%get3A_81, %get3A_82] {strides = array<i32>} : memref<26x512xf32, #tpu.memory_space<vmem>>, vector<1x16xf32>,
      %get3A_84 = vector.shape_cast %get3A_83 : vector<1x16xf32> to vector<16xf32>
      %add3A_85 = arith.addf %add3A_73, %get3A_84 : vector<16xf32>
      %get3A_86 = arith.constant 8 : i32
      %get3A_87 = arith.index_cast %get3A_86 : i32 to index
      %get3A_88 = arith.index_cast %mul3A_44 : i32 to index
      %get3A_89 = tpu.vector_load %arg8[%get3A_87, %get3A_88] {strides = array<i32>} : memref<26x512xf32, #tpu.memory_space<vmem>>, vector<1x16xf32>,
      %get3A_90 = vector.shape_cast %get3A_89 : vector<1x16xf32> to vector<16xf32>
      %add3A_91 = arith.addf %add3A_79, %get3A_90 : vector<16xf32>
      %get3A_92 = arith.constant 9 : i32
      %get3A_93 = arith.index_cast %get3A_92 : i32 to index
      %get3A_94 = arith.index_cast %mul3A_44 : i32 to index
      %get3A_95 = tpu.vector_load %arg8[%get3A_93, %get3A_94] {strides = array<i32>} : memref<26x512xf32, #tpu.memory_space<vmem>>, vector<1x16xf32>,
      %get3A_96 = vector.shape_cast %get3A_95 : vector<1x16xf32> to vector<16xf32>
      %add3A_97 = arith.addf %add3A_85, %get3A_96 : vector<16xf32>
      %get3A_98 = arith.constant 10 : i32
      %get3A_99 = arith.index_cast %get3A_98 : i32 to index
      %get3A_100 = arith.index_cast %mul3A_44 : i32 to index
      %get3A_101 = tpu.vector_load %arg8[%get3A_99, %get3A_100] {strides = array<i32>} : memref<26x512xf32, #tpu.memory_space<vmem>>, vector<1x16xf32>,
      %get3A_102 = vector.shape_cast %get3A_101 : vector<1x16xf32> to vector<16xf32>
      %add3A_103 = arith.addf %add3A_91, %get3A_102 : vector<16xf32>
      %get3A_104 = arith.constant 11 : i32
      %get3A_105 = arith.index_cast %get3A_104 : i32 to index
      %get3A_106 = arith.index_cast %mul3A_44 : i32 to index
      %get3A_107 = tpu.vector_load %arg8[%get3A_105, %get3A_106] {strides = array<i32>} : memref<26x512xf32, #tpu.memory_space<vmem>>, vector<1x16xf32>,
      %get3A_108 = vector.shape_cast %get3A_107 : vector<1x16xf32> to vector<16xf32>
      %add3A_109 = arith.addf %add3A_97, %get3A_108 : vector<16xf32>
      %get3A_110 = arith.constant 12 : i32
      %get3A_111 = arith.index_cast %get3A_110 : i32 to index
      %get3A_112 = arith.index_cast %mul3A_44 : i32 to index
      %get3A_113 = tpu.vector_load %arg8[%get3A_111, %get3A_112] {strides = array<i32>} : memref<26x512xf32, #tpu.memory_space<vmem>>, vector<1x16xf32>,
      %get3A_114 = vector.shape_cast %get3A_113 : vector<1x16xf32> to vector<16xf32>
      %add3A_115 = arith.addf %add3A_103, %get3A_114 : vector<16xf32>
      %get3A_116 = arith.constant 13 : i32
      %get3A_117 = arith.index_cast %get3A_116 : i32 to index
      %get3A_118 = arith.index_cast %mul3A_44 : i32 to index
      %get3A_119 = tpu.vector_load %arg8[%get3A_117, %get3A_118] {strides = array<i32>} : memref<26x512xf32, #tpu.memory_space<vmem>>, vector<1x16xf32>,
      %get3A_120 = vector.shape_cast %get3A_119 : vector<1x16xf32> to vector<16xf32>
      %add3A_121 = arith.addf %add3A_109, %get3A_120 : vector<16xf32>
      %get3A_122 = arith.constant 14 : i32
      %get3A_123 = arith.index_cast %get3A_122 : i32 to index
      %get3A_124 = arith.index_cast %mul3A_44 : i32 to index
      %get3A_125 = tpu.vector_load %arg8[%get3A_123, %get3A_124] {strides = array<i32>} : memref<26x512xf32, #tpu.memory_space<vmem>>, vector<1x16xf32>,
      %get3A_126 = vector.shape_cast %get3A_125 : vector<1x16xf32> to vector<16xf32>
      %add3A_127 = arith.addf %add3A_115, %get3A_126 : vector<16xf32>
      %get3A_128 = arith.constant 15 : i32
      %get3A_129 = arith.index_cast %get3A_128 : i32 to index
      %get3A_130 = arith.index_cast %mul3A_44 : i32 to index
      %get3A_131 = tpu.vector_load %arg8[%get3A_129, %get3A_130] {strides = array<i32>} : memref<26x512xf32, #tpu.memory_space<vmem>>, vector<1x16xf32>,
      %get3A_132 = vector.shape_cast %get3A_131 : vector<1x16xf32> to vector<16xf32>
      %add3A_133 = arith.addf %add3A_121, %get3A_132 : vector<16xf32>
      %get3A_134 = arith.constant 16 : i32
      %get3A_135 = arith.index_cast %get3A_134 : i32 to index
      %get3A_136 = arith.index_cast %mul3A_44 : i32 to index
      %get3A_137 = tpu.vector_load %arg8[%get3A_135, %get3A_136] {strides = array<i32>} : memref<26x512xf32, #tpu.memory_space<vmem>>, vector<1x16xf32>,
      %get3A_138 = vector.shape_cast %get3A_137 : vector<1x16xf32> to vector<16xf32>
      %add3A_139 = arith.addf %add3A_127, %get3A_138 : vector<16xf32>
      %get3A_140 = arith.constant 17 : i32
      %get3A_141 = arith.index_cast %get3A_140 : i32 to index
      %get3A_142 = arith.index_cast %mul3A_44 : i32 to index
      %get3A_143 = tpu.vector_load %arg8[%get3A_141, %get3A_142] {strides = array<i32>} : memref<26x512xf32, #tpu.memory_space<vmem>>, vector<1x16xf32>,
      %get3A_144 = vector.shape_cast %get3A_143 : vector<1x16xf32> to vector<16xf32>
      %add3A_145 = arith.addf %add3A_133, %get3A_144 : vector<16xf32>
      %get3A_146 = arith.constant 18 : i32
      %get3A_147 = arith.index_cast %get3A_146 : i32 to index
      %get3A_148 = arith.index_cast %mul3A_44 : i32 to index
      %get3A_149 = tpu.vector_load %arg8[%get3A_147, %get3A_148] {strides = array<i32>} : memref<26x512xf32, #tpu.memory_space<vmem>>, vector<1x16xf32>,
      %get3A_150 = vector.shape_cast %get3A_149 : vector<1x16xf32> to vector<16xf32>
      %add3A_151 = arith.addf %add3A_139, %get3A_150 : vector<16xf32>
      %get3A_152 = arith.constant 19 : i32
      %get3A_153 = arith.index_cast %get3A_152 : i32 to index
      %get3A_154 = arith.index_cast %mul3A_44 : i32 to index
      %get3A_155 = tpu.vector_load %arg8[%get3A_153, %get3A_154] {strides = array<i32>} : memref<26x512xf32, #tpu.memory_space<vmem>>, vector<1x16xf32>,
      %get3A_156 = vector.shape_cast %get3A_155 : vector<1x16xf32> to vector<16xf32>
      %add3A_157 = arith.addf %add3A_145, %get3A_156 : vector<16xf32>
      %get3A_158 = arith.constant 20 : i32
      %get3A_159 = arith.index_cast %get3A_158 : i32 to index
      %get3A_160 = arith.index_cast %mul3A_44 : i32 to index
      %get3A_161 = tpu.vector_load %arg8[%get3A_159, %get3A_160] {strides = array<i32>} : memref<26x512xf32, #tpu.memory_space<vmem>>, vector<1x16xf32>,
      %get3A_162 = vector.shape_cast %get3A_161 : vector<1x16xf32> to vector<16xf32>
      %add3A_163 = arith.addf %add3A_151, %get3A_162 : vector<16xf32>
      %get3A_164 = arith.constant 21 : i32
      %get3A_165 = arith.index_cast %get3A_164 : i32 to index
      %get3A_166 = arith.index_cast %mul3A_44 : i32 to index
      %get3A_167 = tpu.vector_load %arg8[%get3A_165, %get3A_166] {strides = array<i32>} : memref<26x512xf32, #tpu.memory_space<vmem>>, vector<1x16xf32>,
      %get3A_168 = vector.shape_cast %get3A_167 : vector<1x16xf32> to vector<16xf32>
      %add3A_169 = arith.addf %add3A_157, %get3A_168 : vector<16xf32>
      %get3A_170 = arith.constant 22 : i32
      %get3A_171 = arith.index_cast %get3A_170 : i32 to index
      %get3A_172 = arith.index_cast %mul3A_44 : i32 to index
      %get3A_173 = tpu.vector_load %arg8[%get3A_171, %get3A_172] {strides = array<i32>} : memref<26x512xf32, #tpu.memory_space<vmem>>, vector<1x16xf32>,
      %get3A_174 = vector.shape_cast %get3A_173 : vector<1x16xf32> to vector<16xf32>
      %add3A_175 = arith.addf %add3A_163, %get3A_174 : vector<16xf32>
      %get3A_176 = arith.constant 23 : i32
      %get3A_177 = arith.index_cast %get3A_176 : i32 to index
      %get3A_178 = arith.index_cast %mul3A_44 : i32 to index
      %get3A_179 = tpu.vector_load %arg8[%get3A_177, %get3A_178] {strides = array<i32>} : memref<26x512xf32, #tpu.memory_space<vmem>>, vector<1x16xf32>,
      %get3A_180 = vector.shape_cast %get3A_179 : vector<1x16xf32> to vector<16xf32>
      %add3A_181 = arith.addf %add3A_169, %get3A_180 : vector<16xf32>
      %get3A_182 = arith.constant 24 : i32
      %get3A_183 = arith.index_cast %get3A_182 : i32 to index
      %get3A_184 = arith.index_cast %mul3A_44 : i32 to index
      %get3A_185 = tpu.vector_load %arg8[%get3A_183, %get3A_184] {strides = array<i32>} : memref<26x512xf32, #tpu.memory_space<vmem>>, vector<1x16xf32>,
      %get3A_186 = vector.shape_cast %get3A_185 : vector<1x16xf32> to vector<16xf32>
      %add3A_187 = arith.addf %add3A_175, %get3A_186 : vector<16xf32>
      %get3A_188 = arith.constant 25 : i32
      %get3A_189 = arith.index_cast %get3A_188 : i32 to index
      %get3A_190 = arith.index_cast %mul3A_44 : i32 to index
      %get3A_191 = tpu.vector_load %arg8[%get3A_189, %get3A_190] {strides = array<i32>} : memref<26x512xf32, #tpu.memory_space<vmem>>, vector<1x16xf32>,
      %get3A_192 = vector.shape_cast %get3A_191 : vector<1x16xf32> to vector<16xf32>
      %add3A_193 = arith.addf %add3A_181, %get3A_192 : vector<16xf32>
      %get3A_194 = arith.constant 0 : i32
      %get3A_195 = arith.index_cast %get3A_194 : i32 to index
      %get3A_196 = arith.index_cast %mul3A_44 : i32 to index
      %get3A_197 = tpu.vector_load %arg8[%get3A_195, %get3A_196] {strides = array<i32>} : memref<26x512xf32, #tpu.memory_space<vmem>>, vector<1x16xf32>,
      %get3A_198 = vector.shape_cast %get3A_197 : vector<1x16xf32> to vector<16xf32>
      %add3A_199 = arith.addf %add3A_187, %get3A_198 : vector<16xf32>
      %add3A_200 = arith.addf %add3A_199, %add3A_193 : vector<16xf32>
      %swap3A = arith.index_cast %mul3A_44 : i32 to index
      %swap3A_201 = tpu.vector_load %arg9[%swap3A] {strides = array<i32>} : memref<512xf32, #tpu.memory_space<vmem>>, vector<16xf32>,
      %swap3A_202 = vector.shape_cast %swap3A_201 : vector<16xf32> to vector<16xf32>
      %swap3A_203 = vector.shape_cast %add3A_200 : vector<16xf32> to vector<16xf32>
      tpu.vector_store %arg9[%swap3A], %swap3A_203 {strides = array<i32>} : memref<512xf32, #tpu.memory_space<vmem>>, vector<16xf32>,
    }
    %scan3A_39 = arith.constant 32 : i32
    %mul3A_40 = arith.constant 512 : i32
    %mul3A_41 = arith.muli %add3A, %mul3A_40 : i32
    %run_scoped3A = arith.constant 0 : i32
    "tpu.region"() ({
      %run_scoped3A_42 = tpu.sem_alloc : memref<!tpu.dma_semaphore, #tpu.memory_space<semaphore_mem>>
      %dma_start3A_43 = tpu.memref_slice %arg5[%run_scoped3A, %mul3A_41] : memref<1x16384xf32, #tpu.memory_space<hbm>> -> memref<1x512xf32, #tpu.memory_space<hbm>>
      %dma_start3A_44 = tpu.memref_squeeze %dma_start3A_43 : memref<1x512xf32, #tpu.memory_space<hbm>> -> memref<512xf32, #tpu.memory_space<hbm>>
      %dma_start3A_45 = tpu.memref_slice %arg5[%run_scoped3A, %mul3A_41] : memref<1x16384xf32, #tpu.memory_space<hbm>> -> memref<1x512xf32, #tpu.memory_space<hbm>>
      %dma_start3A_46 = tpu.memref_squeeze %dma_start3A_45 : memref<1x512xf32, #tpu.memory_space<hbm>> -> memref<512xf32, #tpu.memory_space<hbm>>
      tpu.enqueue_dma source(%arg9 : memref<512xf32, #tpu.memory_space<vmem>>) target(%dma_start3A_46 : memref<512xf32, #tpu.memory_space<hbm>>) target_semaphore(%run_scoped3A_42 : memref<!tpu.dma_semaphore, #tpu.memory_space<semaphore_mem>>)
      %dma_wait3A_47 = tpu.memref_slice %arg5[%run_scoped3A, %mul3A_41] : memref<1x16384xf32, #tpu.memory_space<hbm>> -> memref<1x512xf32, #tpu.memory_space<hbm>>
      %dma_wait3A_48 = tpu.memref_squeeze %dma_wait3A_47 : memref<1x512xf32, #tpu.memory_space<hbm>> -> memref<512xf32, #tpu.memory_space<hbm>>
      %dma_wait3A_49 = tpu.memref_slice %arg5[%run_scoped3A, %mul3A_41] : memref<1x16384xf32, #tpu.memory_space<hbm>> -> memref<1x512xf32, #tpu.memory_space<hbm>>
      %dma_wait3A_50 = tpu.memref_squeeze %dma_wait3A_49 : memref<1x512xf32, #tpu.memory_space<hbm>> -> memref<512xf32, #tpu.memory_space<hbm>>
      tpu.wait_dma2 semaphore(%run_scoped3A_42 : memref<!tpu.dma_semaphore, #tpu.memory_space<semaphore_mem>>) src(%arg9 : memref<512xf32, #tpu.memory_space<vmem>>) dst(%dma_wait3A_50 : memref<512xf32, #tpu.memory_space<hbm>>)
      tpu.yield
    }) : () -> ()
    return
  }
}

</mosaic_0001>

<sc_bundles>
// kernel: kernel.3.cloned.1.call-start
scs
__scs_entry_jumppad:
0x0: {  	(pc) =	sbr.rel $0x88, $3  }
0x1: {  	(tag) =	ssettag $0x0;
	lr =	simm.s32 $0x1  }
0x2: {  	[smem:$0x3F9E] =	sst lr;
	_ =	strace $0xD0000000  }
0x3: {  	_ = 	snop  }
0x4: {  	_ = 	snop  }
0x5: {  	_ = 	snop  }
0x6: {  	_ = 	snop  }
0x7: {  	_ = 	snop  }
__scs_overlays_trampoline_lowered:
0x8: {  	[smem:$0x3FAD] =	sst s0  }
0x9: {  	[smem:$0x3FAE] =	sst s1  }
0xa: {  	[smem:$0x3FAF] =	sst s2  }
0xb: {  	[smem:$0x3FB0] =	sst s3  }
0xc: {  	[smem:$0x3FB1] =	sst s4  }
0xd: {  	[smem:$0x3FB2] =	sst s5  }
0xe: {  	[smem:$0x3FB3] =	sst s6  }
0xf: {  	[smem:$0x3FB4] =	sst s7  }
0x10: {  	[smem:$0x3FB5] =	sst s8  }
0x11: {  	[smem:$0x3FB6] =	sst s9;
	s0 =	simm.s32 @!p0 $0x0  }
0x12: {  	s1 =	sld [smem:$0x3F9C];
	s0 =	simm.s32 @p0 $0x1  }
0x13: {  	[smem:$0x3FB7] =	sst s0;
	s0 =	simm.s32 @!p1 $0x0  }
0x14: {  	s2 =	sld [smem:$0x3F9B];
	s0 =	simm.s32 @p1 $0x1  }
0x15: {  	[smem:$0x3FB8] =	sst s0;
	s0 =	simm.s32 @!p2 $0x0  }
0x16: {  	s3 =	sld [smem:$0x3FDB];
	s0 =	simm.s32 @p2 $0x1  }
0x17: {  	s4 =	simm.s32 $0x1BF5;
	[smem:$0x3FBA] =	sst s0  }
0x18: {  	s0 =	sld [smem:$0x3F9D];
	_ =	swait.ge [sflag:s4], $0x0  }
0x19: {  	s7 =	sld [smem:$0x3F9E]  }
0x1a: {  	s8 =	sadd.s32 $0xFFFFE003, lr  }
0x1b: {  	s9 =	sadd.s32 $0xFFFFFEF7, lr;
	s5 =	simm.s32 $0xFFFFFFFF;
	p2 =	slt.u32 s8, $0xFFFFF086  }
0x1c: {  	p1 =	slt.u32 s9, $0xF7A;
	s5 =	simm.s32 @!p2 $0x0  }
0x1d: {  	s5 =	simm.s32 @p1 $0x1;
	p0 =	seq.s32 s7, s2  }
0x1e: {  	s7 =	smul.u32 @!p0 $0xF7A, s2;
	p2 =	seq.s32 @!p0 s5, $0x0  }
0x1f: {  	s9 =	smul.u32 $0xF7A, s1;
	s8 =	simm.s32 @!p0 $0x1BF5;
	p2 =	por !p2, p0  }
0x20: {  	[sflag:s8] =	ssyncset.s32 @!p0 $0xFFFFF086;
	s6 =	sadd.s32 @!p0 s3, s7;
	s7 =	simm.s32 @!p0 $0x108  }
0x21: {  	s3 =	sadd.s32 s3, s9;
	s6 =	sadd.s32 @!p0 $0x88, s6;
	s7 =	simm.s32 @p2 $0x1082  }
0x22: {  	[simem:s7], [sflag:s8] =	dma.local @!p0 [hbm:s6], $0xF7A  }
0x23: {  	s9 =	sor.u32 $0xD0000000, s2;
	s6 =	simm.s32 $0x108;
	_ =	swait.ge @!p0 [sflag:s8], $0x0  }
0x24: {  	s3 =	sadd.s32 $0x88, s3;
	s6 =	simm.s32 @!p1 $0x1082;
	[sflag:s4] =	ssyncset.s32 $0xFFFFF086  }
0x25: {  	[simem:s6], [sflag:s4] =	dma.local [hbm:s3], $0xF7A  }
0x26: {  	[smem:$0x3F9E] =	sst s1;
	(tag) =	ssettag s2;
	_ =	strace s9  }
0x27: {  	s1 =	sld [smem:$0x3FAE]  }
0x28: {  	s2 =	sld [smem:$0x3FAF]  }
0x29: {  	s4 =	sld [smem:$0x3FB1]  }
0x2a: {  	p0 =	seq.s32 s5, $0x0;
	s5 =	sld [smem:$0x3FB2]  }
0x2b: {  	s6 =	sld [smem:$0x3FB3]  }
0x2c: {  	s7 =	sld [smem:$0x3FB4]  }
0x2d: {  	s3 =	simm.s32 $0x108;
	s8 =	sld [smem:$0x3FB5]  }
0x2e: {  	s3 =	simm.s32 @!p0 $0x1082;
	s9 =	sld [smem:$0x3FB6]  }
0x2f: {  	lr =	sadd.s32 s0, s3;
	s0 =	sld [smem:$0x3FAD]  }
0x30: {  	s3 =	sld [smem:$0x3FB0]  }
0x31: {  	[smem:$0x3FB9] =	sst s10  }
0x32: {  	s10 =	sld [smem:$0x3FB7];
	_ =	sdelay $0x3  }
0x33: {  	p0 =	seq.s32 s10, $0x1;
	s10 =	sld [smem:$0x3FB9];
	_ =	sdelay $0x3  }
0x34: {  	[smem:$0x3FB9] =	sst s10  }
0x35: {  	s10 =	sld [smem:$0x3FB8];
	_ =	sdelay $0x3  }
0x36: {  	p1 =	seq.s32 s10, $0x1;
	s10 =	sld [smem:$0x3FB9];
	_ =	sdelay $0x3  }
0x37: {  	[smem:$0x3FB9] =	sst s10  }
0x38: {  	s10 =	sld [smem:$0x3FBA]  }
0x39: {  	_ = 	snop;
	(pc) =	sbr.ind lr, $3  }
0x3a: {  	_ = 	snop  }
0x3b: {  	_ = 	snop  }
0x3c: {  	p2 =	seq.s32 s10, $0x1;
	s10 =	sld [smem:$0x3FB9]  }
0x3d: {  	_ =	shalt  }
0x3e: {  	_ =	shalt  }
0x3f: {  	_ =	shalt  }
0x40: {  	_ =	shalt  }
0x41: {  	_ =	shalt  }
0x42: {  	_ =	shalt  }
0x43: {  	_ =	shalt  }
0x44: {  	_ =	shalt  }
0x45: {  	_ =	shalt  }
0x46: {  	_ =	shalt  }
0x47: {  	_ =	shalt  }
0x48: {  	_ =	shalt  }
0x49: {  	_ =	shalt  }
0x4a: {  	_ =	shalt  }
0x4b: {  	_ =	shalt  }
0x4c: {  	_ =	shalt  }
0x4d: {  	_ =	shalt  }
0x4e: {  	_ =	shalt  }
0x4f: {  	_ =	shalt  }
0x50: {  	_ =	shalt  }
0x51: {  	_ =	shalt  }
0x52: {  	_ =	shalt  }
0x53: {  	_ =	shalt  }
0x54: {  	_ =	shalt  }
0x55: {  	_ =	shalt  }
0x56: {  	_ =	shalt  }
0x57: {  	_ =	shalt  }
0x58: {  	_ =	shalt  }
0x59: {  	_ =	shalt  }
0x5a: {  	_ =	shalt  }
0x5b: {  	_ =	shalt  }
0x5c: {  	_ =	shalt  }
0x5d: {  	_ =	shalt  }
0x5e: {  	_ =	shalt  }
0x5f: {  	_ =	shalt  }
0x60: {  	_ =	shalt  }
0x61: {  	_ =	shalt  }
0x62: {  	_ =	shalt  }
0x63: {  	_ =	shalt  }
0x64: {  	_ =	shalt  }
0x65: {  	_ =	shalt  }
0x66: {  	_ =	shalt  }
0x67: {  	_ =	shalt  }
0x68: {  	_ =	shalt  }
0x69: {  	_ =	shalt  }
0x6a: {  	_ =	shalt  }
0x6b: {  	_ =	shalt  }
0x6c: {  	_ =	shalt  }
0x6d: {  	_ =	shalt  }
0x6e: {  	_ =	shalt  }
0x6f: {  	_ =	shalt  }
0x70: {  	_ =	shalt  }
0x71: {  	_ =	shalt  }
0x72: {  	_ =	shalt  }
0x73: {  	_ =	shalt  }
0x74: {  	_ =	shalt  }
0x75: {  	_ =	shalt  }
0x76: {  	_ =	shalt  }
0x77: {  	_ =	shalt  }
0x78: {  	_ =	shalt  }
0x79: {  	_ =	shalt  }
0x7a: {  	_ =	shalt  }
0x7b: {  	_ =	shalt  }
0x7c: {  	_ =	shalt  }
0x7d: {  	_ =	shalt  }
0x7e: {  	_ =	shalt  }
0x7f: {  	_ =	shalt  }
0x80: {  	_ =	shalt  }
0x81: {  	_ =	shalt  }
0x82: {  	_ =	shalt  }
0x83: {  	_ =	shalt  }
0x84: {  	_ =	shalt  }
0x85: {  	_ =	shalt  }
0x86: {  	_ =	shalt  }
0x87: {  	_ =	shalt  }
.Lfunc_end0:
.L_simem_size_0:
called_computation_lowered:
.L_overlay_start_0:
0x88: {  	s2 =	sld [smem:$0x3FD9]  }
0x89: {  	s3 =	sld [smem:$0x3FFE];
	_ =	sdelay $0x1  }
0x8a: {  	s1 =	srdreg.scid  }
0x8b: {  	s0 =	sand.u32 $0x1, s1  }
0x8c: {  	s18 =	sshll.u32 s0, $0xA;
	s2 =	sadd.s32 s3, s2  }
0x8d: {  	s2 =	sadd.s32 s2, s18  }
0x8e: {  	[smem:$0x3FC5] =	sst s2  }
0x8f: {  	_ = 	snop  }
0x90: {  	s2 =	sld [smem:$0x3FC9]  }
0x91: {  	s19 =	sld [smem:$0x3FC8]  }
0x92: {  	s4 =	sld [smem:$0x3FC7]  }
0x93: {  	s5 =	sld [smem:$0x3FD0];
	(tm) =	ssettm $0x1  }
0x94: {  	s6 =	sld [smem:$0x3FFB];
	_ =	sdelay $0x3  }
0x95: {  	_ =	strace s6  }
0x96: {  	s6 =	sld [smem:$0x3FFC];
	_ =	sdelay $0x3  }
0x97: {  	_ =	strace s6  }
0x98: {  	s6 =	sld [smem:$0x3FFD];
	_ =	sdelay $0x3  }
0x99: {  	_ =	strace s6  }
0x9a: {  	_ =	strace $0x8FFFFFFF  }
0x9b: {  	s20 =	sld [smem:$0x3FDB];
	_ =	sdelay $0x1  }
0x9c: {  	s7 =	simm.s32 $_scs_section_size  }
0x9d: {  	s8 =	simm.s32 $_size__tile_overlayer_lowered;
	s9 =	simm.s32 $_tile_overlayer_lowered  }
0x9e: {  	s23 =	simm.s32 $0x1BFF;
	s22 =	sshll.u32 s9, $0x1;
	s6 =	sadd.s32 s7, s20  }
0x9f: {  	s10 =	simm.s32 $0x0;
	s21 =	sshll.u32 s8, $0x1;
	s8 =	sadd.s32 s22, s6  }
0xa0: {  	[timem:s10], [sflag:s23] =	dma.local [hbm:s8], s21  }
0xa1: {  	_ =	swait.ge [sflag:s23], s21  }
0xa2: {  	s7 =	ssub.s32 $0x0, s21;
	[sflag:s23] =	ssyncset.done $0x0  }
0xa3: {  	[sflag:s23] =	ssyncadd.s32 s7;
	_ =	sdelay $0x1  }
0xa4: {  	s24 =	simm.s32 $0x1B8B  }
0xa5: {  	_ =	swait.ge [sflag:s24], $0x1  }
0xa6: {  	[sflag:s24] =	ssyncset.done $0x0  }
0xa7: {  	s25 =	simm.s32 $0x1B8E;
	[sflag:s24] =	ssyncadd.s32 $0xFFFFFFFF  }
0xa8: {  	s26 =	simm.s32 $execute0_lowered;
	[smem:$0x3FD2] =	sst s25  }
0xa9: {  	s7 =	sshll.u32 s26, $0x1;
	_ =	strace $0x80000046;
	[dreg:$0x1] =	wrdreg $0xFFFFFFFF  }
0xaa: {  	s28 =	simm.s32 $_size_execute0_lowered;
	s6 =	sadd.s32 s6, s7;
	[dreg:$0x0] =	wrdreg $0x0  }
0xab: {  	s7 =	sshll.u32 s28, $0x1;
	[dreg:$0x2] =	wrdreg s6  }
0xac: {  	[dreg:$0x3] =	wrdreg s7  }
0xad: {  	[dreg:$0x4] =	wrdreg $0xC0  }
0xae: {  	_ =	task [dreg:s10], $0x5FFFF  }
0xaf: {  	[dreg:$0x1] =	wrdreg $0xFFFFFFFF  }
0xb0: {  	[dreg:$0x0] =	wrdreg $0x60  }
0xb1: {  	[dreg:$0x2] =	wrdreg s2  }
0xb2: {  	[dreg:$0x3] =	wrdreg s19  }
0xb3: {  	[dreg:$0x4] =	wrdreg s4  }
0xb4: {  	[dreg:$0x5] =	wrdreg s5  }
0xb5: {  	[dreg:$0x6] =	wrdreg $0xB6800  }
0xb6: {  	[dreg:$0x7] =	wrdreg $0x9  }
0xb7: {  	_ =	task.clear_ibuf [dreg:s10], $0x8FFFF;
	_ =	strace $0x90000046  }
0xb8: {  	s29 =	simm.s32 $0x9;
	_ =	strace $0x80000048  }
0xb9: {  	_ =	swait.ge [sflag:s29], $0x1  }
0xba: {  	[sflag:s29] =	ssyncadd.s32 $0xFFFFFFFF  }
0xbb: {  	_ =	strace $0x90000048  }
0xbc: {  	_ =	sfence  }
0xbd: {  	s30 =	sld [smem:$0x0];
	_ =	sdelay $0x2  }
0xbe: {  	s31 =	sshll.u32 s1, $0xD;
	s1 =	sshrl.u32 s1, $0x2  }
0xbf: {  	s3 =	sand.u32 $0x4000, s31;
	s1 =	sadd.s32 s1, s30  }
0xc0: {  	s0 =	sor.u32 s3, s0;
	s1 =	sshll.u32 s1, $0x11  }
0xc1: {  	s0 =	sor.u32 s1, s0  }
0xc2: {  	s0 =	sadd.s32 $0x8F2B, s0  }
0xc3: {  	[sflag:s0] =	ssyncadd.remote.s32 $0x1  }
0xc4: {  	_ =	sfence.sel $0xFFFF  }
0xc5: {  	[dreg:$0x0] =	wrdreg $0xFFFFFFFF;
	(pc) =	sbr.abs _section_cstart, $3  }
0xc6: {  	[dreg:$0x1] =	wrdreg $0xFFFFFFFF  }
0xc7: {  	_ =	task.clear_ibuf [dreg:s10], $0x2FFFF;
	_ =	strace $0x9FFFFFFF  }
0xc8: {  	(tm) =	ssettm $0x7FFFFFFF  }
0xc9: {  	_ =	shalt  }
tec
execute0_lowered:
.L_overlay_start_1:
0x0: {  	(tag) =	ssettag $0x1  }
0x1: {  	s7 =	rddreg [dreg:$0x0]  }
0x2: {  	s5 =	rddreg [dreg:$0x1]  }
0x3: {  	s1 =	rddreg [dreg:$0x2]  }
0x4: {  	s8 =	rddreg [dreg:$0x3]  }
0x5: {  	s2 =	srdreg.scid;
	s0 =	stileid.u32  }
0x6: {  	s3 =	rddreg [dreg:$0x4];
	s4 =	simm.s32 $0x0;
	s13 =	simm.s32 $0x3  }
0x7: {  	s14 =	simm.s32 $0xB600;
	s15 =	simm.s32 $0x2;
	s16 =	simm.s32 $0x80  }
0x8: {  	s17 =	simm.s32 $0x1;
	s18 =	simm.s32 $0xB400;
	s19 =	simm.s32 $0x0  }
0x9: {  	s6 =	sand.u32 $0x1, s2;
	s9 =	smul.u32 $0xF480, s0;
	s2 =	rddreg [dreg:$0x5]  }
0xa: {  	[smem:$0x7FF] =	sst s4;
	s12 =	sshll.u32 s0, $0xA;
	s30 =	sshll.u32 s0, $0x6  }
0xb: {  	s10 =	ssub.s32 $0x2, s6;
	_ =	strace $0x80000047;
	s6 =	sshll.u32 s6, $0x9  }
0xc: {  	s11 =	sshrl.u32 s10, $0x1;
	s9 =	smin.u32 s9, $0xE4E00;
	s12 =	sor.u32 s6, s12  }
0xd: {  	s6 =	sor.u32 $0x1C02, s30;
	s10 =	ssub.s32 s10, s11;
	s29 =	sadd.s32 s9, s3  }
0xe: {  	s9 =	sshrl.u32 s9, $0x3;
	s7 =	sadd.s32 s7, s12;
	s31 =	sshrl.u32 s12, $0x3  }
0xf: {  	s11 =	simm.s32 $0x1000;
	s12 =	simm.s32 $0x20000;
	s5 =	sadd.s32 s5, s9  }
0x10: {  	s8 =	sadd.s32 s8, s31;
	s9 =	smax.u32 s10, $0x1;
	s10 =	sshrl.u32 s29, $0x3  }
.LBB2_1:
0x11: {  	[spmem:s10], [sflag:s6] =	dma.local [hbm:s5], $0x1E90  }
0x12: {  	[tilespmem:s4], [sflag:$0x3] =	stream.strided.gather [hbm4b:s7+s11], $0x4000, s12, s11, $0x38;
	[tilespmem:$0x1AAA8] =	vst v63  }
0x13: {  	_ =	swait.ge [sflag:s13], $0x4000  }
0x14: {  	s20 =	simm.s32 $0x0;
	[sflag:s13] =	ssyncset.done $0x0  }
0x15: {  	s21 =	sand.u32 $0x3000, s4;
	s22 =	simm.s32 $0x0;
	[sflag:s13] =	ssyncadd.s32 $0xFFFFC000  }
0x16: {  	[tilespmem:s14], [sflag:$0x3] =	stream.linear.gather [hbm4b:s1+s4], $0x1, $0x38;
	[tilespmem:$0x1AAA8] =	vst v63  }
0x17: {  	s20 =	sand.u32 $0x3000, s20;
	s21 =	sshrl.u32 s21, $0x2;
	_ =	swait.ge [sflag:s13], $0x1  }
0x18: {  	s22 =	sand.u32 $0x380, s22;
	s20 =	sor.u32 s21, s20;
	[sflag:s13] =	ssyncset.done $0x0  }
0x19: {  	s24 =	sor.u32 s22, s20;
	[sflag:s13] =	ssyncadd.s32 $0xFFFFFFFF  }
0x1a: {  	v0 =	vld [tilespmem:s24+$0x0];
	_ =	sdelay $0x1  }
0x1b: {  	s31 =	simm.s32 $0x0  }
0x1c: {  	s21 =	smul.u32 $0x963E, s31;
	_ =	sdelay $0x1  }
0x1d: {  	s20 =	simm.s32 $0x4040;
	v0 =	vadd.s32 s21, v0  }
0x1e: {  	[tilespmem:s20+$0xFFFFFFC0] =	vst v0  }
0x1f: {  	v0 =	vld [tilespmem:s24+$0x10];
	_ =	sdelay $0x4  }
0x20: {  	v0 =	vadd.s32 s21, v0  }
0x21: {  	[tilespmem:s20+$0xFFFFFFD0] =	vst v0  }
0x22: {  	v0 =	vld [tilespmem:s24+$0x20];
	_ =	sdelay $0x4  }
0x23: {  	v0 =	vadd.s32 s21, v0  }
0x24: {  	[tilespmem:s20+$0xFFFFFFE0] =	vst v0  }
0x25: {  	v0 =	vld [tilespmem:s24+$0x30];
	_ =	sdelay $0x4  }
0x26: {  	v0 =	vadd.s32 s21, v0  }
0x27: {  	[tilespmem:s20+$0xFFFFFFF0] =	vst v0  }
0x28: {  	v0 =	vld [tilespmem:s24+$0x40];
	_ =	sdelay $0x4  }
0x29: {  	v0 =	vadd.s32 s21, v0  }
0x2a: {  	[tilespmem:s20+$0x0] =	vst v0  }
0x2b: {  	v0 =	vld [tilespmem:s24+$0x50];
	_ =	sdelay $0x4  }
0x2c: {  	v0 =	vadd.s32 s21, v0  }
0x2d: {  	[tilespmem:s20+$0x10] =	vst v0  }
0x2e: {  	v0 =	vld [tilespmem:s24+$0x60];
	_ =	sdelay $0x4  }
0x2f: {  	v0 =	vadd.s32 s21, v0  }
0x30: {  	[tilespmem:s20+$0x20] =	vst v0  }
0x31: {  	v0 =	vld [tilespmem:s24+$0x70];
	_ =	sdelay $0x1  }
0x32: {  	s25 =	simm.s32 $0x20;
	s23 =	simm.s32 $0x1000;
	s26 =	simm.s32 $0x80  }
0x33: {  	s28 =	sand.u32 $0x3000, s23;
	s22 =	simm.s32 $0x1;
	s24 =	simm.s32 $0x2  }
.LBB2_2:
0x34: {  	p0 =	sne.s32 s24, $0x67;
	s26 =	sand.u32 $0x3000, s26;
	s28 =	sshrl.u32 s28, $0x2  }
0x35: {  	s25 =	sand.u32 $0x380, s25;
	s26 =	sor.u32 s28, s26;
	v0 =	vadd.s32 s21, v0  }
0x36: {  	s25 =	sor.u32 s25, s26;
	[tilespmem:s20+$0x30] =	vst v0  }
0x37: {  	v0 =	vld [tilespmem:s25+$0x0];
	_ =	sdelay $0x1  }
0x38: {  	s21 =	sshrl.u32 s22, $0x2;
	s22 =	smov.u32 s24  }
0x39: {  	s21 =	smul.u32 $0x963E, s21;
	_ =	sdelay $0x1  }
0x3a: {  	s20 =	sadd.s32 $0x80, s20;
	v0 =	vadd.s32 s21, v0  }
0x3b: {  	[tilespmem:s20+$0xFFFFFFC0] =	vst v0  }
0x3c: {  	v0 =	vld [tilespmem:s25+$0x10];
	_ =	sdelay $0x4  }
0x3d: {  	v0 =	vadd.s32 s21, v0  }
0x3e: {  	[tilespmem:s20+$0xFFFFFFD0] =	vst v0  }
0x3f: {  	v0 =	vld [tilespmem:s25+$0x20];
	_ =	sdelay $0x4  }
0x40: {  	v0 =	vadd.s32 s21, v0  }
0x41: {  	[tilespmem:s20+$0xFFFFFFE0] =	vst v0  }
0x42: {  	v0 =	vld [tilespmem:s25+$0x30];
	_ =	sdelay $0x4  }
0x43: {  	v0 =	vadd.s32 s21, v0  }
0x44: {  	[tilespmem:s20+$0xFFFFFFF0] =	vst v0  }
0x45: {  	v0 =	vld [tilespmem:s25+$0x40];
	_ =	sdelay $0x4  }
0x46: {  	v0 =	vadd.s32 s21, v0  }
0x47: {  	[tilespmem:s20+$0x0] =	vst v0  }
0x48: {  	v0 =	vld [tilespmem:s25+$0x50];
	_ =	sdelay $0x4  }
0x49: {  	v0 =	vadd.s32 s21, v0  }
0x4a: {  	[tilespmem:s20+$0x10] =	vst v0  }
0x4b: {  	v0 =	vld [tilespmem:s25+$0x60];
	_ =	sdelay $0x4  }
0x4c: {  	v0 =	vadd.s32 s21, v0  }
.Ltmp0:
0x4d: {  	[tilespmem:s20+$0x20] =	vst v0;
	(pc) =	sbr.rel @p0 .LBB2_2-.Ltmp0, $3  }
0x4e: {  	v0 =	vld [tilespmem:s25+$0x70];
	_ =	sdelay $0x1  }
0x4f: {  	s23 =	sadd.s32 $0x1000, s23;
	s25 =	sshll.u32 s24, $0x5  }
0x50: {  	s28 =	sand.u32 $0x3000, s23;
	s26 =	sshll.u32 s22, $0x7;
	s24 =	sadd.s32 $0x1, s24  }
0x51: {  	s23 =	sand.u32 $0x3000, s26;
	s24 =	sshrl.u32 s28, $0x2  }
0x52: {  	s25 =	sand.u32 $0x380, s25;
	s23 =	sor.u32 s24, s23;
	v0 =	vadd.s32 s21, v0  }
0x53: {  	s26 =	sor.u32 s25, s23;
	[tilespmem:s20+$0x30] =	vst v0  }
0x54: {  	v0 =	vld [tilespmem:s26+$0x0];
	_ =	sdelay $0x1  }
0x55: {  	s22 =	sshrl.u32 s22, $0x2  }
0x56: {  	s22 =	smul.u32 $0x963E, s22;
	_ =	sdelay $0x1  }
0x57: {  	s28 =	sadd.s32 $0x80, s20;
	v0 =	vadd.s32 s22, v0  }
0x58: {  	[tilespmem:s28+$0xFFFFFFC0] =	vst v0  }
0x59: {  	v0 =	vld [tilespmem:s26+$0x10];
	_ =	sdelay $0x4  }
0x5a: {  	v0 =	vadd.s32 s22, v0  }
0x5b: {  	[tilespmem:s28+$0xFFFFFFD0] =	vst v0  }
0x5c: {  	v0 =	vld [tilespmem:s26+$0x20];
	_ =	sdelay $0x4  }
0x5d: {  	v0 =	vadd.s32 s22, v0  }
0x5e: {  	[tilespmem:s28+$0xFFFFFFE0] =	vst v0  }
0x5f: {  	v0 =	vld [tilespmem:s26+$0x30];
	_ =	sdelay $0x4  }
0x60: {  	v0 =	vadd.s32 s22, v0  }
0x61: {  	[tilespmem:s28+$0xFFFFFFF0] =	vst v0  }
0x62: {  	v0 =	vld [tilespmem:s26+$0x40];
	_ =	sdelay $0x4  }
0x63: {  	v0 =	vadd.s32 s22, v0  }
0x64: {  	[tilespmem:s28+$0x0] =	vst v0  }
0x65: {  	v0 =	vld [tilespmem:s26+$0x50];
	_ =	sdelay $0x4  }
0x66: {  	v0 =	vadd.s32 s22, v0  }
0x67: {  	[tilespmem:s28+$0x10] =	vst v0  }
0x68: {  	v0 =	vld [tilespmem:s26+$0x60];
	_ =	sdelay $0x4  }
0x69: {  	v0 =	vadd.s32 s22, v0  }
0x6a: {  	[tilespmem:s28+$0x20] =	vst v0  }
0x6b: {  	v0 =	vld [tilespmem:s26+$0x70];
	_ =	sdelay $0x4  }
0x6c: {  	v0 =	vadd.s32 s22, v0  }
0x6d: {  	s29 =	simm.s32 $0x0;
	s30 =	simm.s32 $0x0;
	s31 =	simm.s32 $0x0;
	[tilespmem:s28+$0x30] =	vst v0  }
0x6e: {  	s21 =	sand.u32 $0x3000, s30;
	s20 =	sand.u32 $0xC00, s29;
	_ =	swait.ge [sflag:s15], $0x1E90  }
0x6f: {  	s20 =	sor.u32 s20, s21;
	s22 =	sand.u32 $0x380, s31;
	[sflag:s15] =	ssyncset.done $0x0  }
0x70: {  	s21 =	sor.u32 s22, s20;
	[sflag:s15] =	ssyncadd.s32 $0xFFFFE170  }
0x71: {  	s20 =	simm.s32 $0x4000;
	s21 =	sadd.s32 $0x7400, s21;
	[bflag:$0x0] =	sbarrier.arrive $0xFFFF  }
0x72: {  	[tilespmem:s21], [sflag:$0x1] =	stream.indirect.gather [spmem:s3], $0x1, s20, s16, $0xb8;
	[tilespmem:$0x1AAA8] =	vst v63  }
0x73: {  	s22 =	simm.s32 $0x400;
	s21 =	simm.s32 $0x1  }
.LBB2_4:
0x74: {  	s23 =	sshll.u32 s21, $0x7;
	p0 =	sne.s32 s21, $0x67  }
0x75: {  	s24 =	smov.u32 s21;
	s21 =	sadd.s32 $0x1, s21;
	s25 =	sand.u32 $0xC00, s22  }
.Ltmp1:
0x76: {  	s23 =	sand.u32 $0x3000, s23;
	s24 =	sshll.u32 s24, $0x5;
	(pc) =	sbr.rel @p0 .LBB2_4-.Ltmp1, $4  }
0x77: {  	s24 =	sand.u32 $0x380, s24;
	s23 =	sor.u32 s25, s23  }
0x78: {  	s23 =	sor.u32 s24, s23  }
0x79: {  	s22 =	sadd.s32 $0x400, s22;
	s20 =	sadd.s32 $0x80, s20;
	s23 =	sadd.s32 $0x7400, s23  }
0x7a: {  	[tilespmem:s23], [sflag:$0x1] =	stream.indirect.gather [spmem:s3], $0x1, s20, s16, $0xb8;
	[tilespmem:$0x1AAA8] =	vst v63  }
0x7b: {  	_ =	swait.ge [sflag:s17], $0x80  }
0x7c: {  	s20 =	simm.s32 $0x67;
	[sflag:s17] =	ssyncset.done $0x0  }
.LBB2_6:
0x7d: {  	p0 =	sne.s32 s20, $0x1;
	s20 =	sadd.s32 $0xFFFFFFFF, s20;
	[sflag:s17] =	ssyncadd.s32 $0xFFFFFF80  }
.Ltmp2:
0x7e: {  	(pc) =	sbr.rel @p0 .LBB2_6-.Ltmp2, $3  }
0x7f: {  	_ =	sdelay $0x1  }
0x80: {  	_ =	swait.ge [sflag:s17], $0x80  }
0x81: {  	[sflag:s17] =	ssyncset.done $0x0  }
0x82: {  	[sflag:s17] =	ssyncadd.s32 $0xFFFFFF80  }
0x83: {  	s20 =	simm.s32 $0x0;
	v0 =	vld [tilespmem:$0xB600]  }
0x84: {  	s21 =	sand.u32 $0x70, s20;
	s20 =	sand.u32 $0xC00, s20  }
0x85: {  	s20 =	sor.u32 s21, s20  }
0x86: {  	v1 =	vld [tilespmem:s20+$0x7580]  }
0x87: {  	v2 =	vld [tilespmem:s20+$0x7500]  }
0x88: {  	v3 =	vld [tilespmem:s20+$0x7480];
	v0 =	vadd.f32 $0.0e+00, v0  }
0x89: {  	v4 =	vld [tilespmem:s20+$0x7600]  }
0x8a: {  	v5 =	vld [tilespmem:s20+$0x7680];
	v0 =	vbroadcast v0, $0x0  }
0x8b: {  	v6 =	vld [tilespmem:s20+$0x7700]  }
0x8c: {  	v7 =	vld [tilespmem:s20+$0x7780];
	v2 =	vadd.f32 v2, v0  }
0x8d: {  	v8 =	vld [tilespmem:s20+$0x8400]  }
0x8e: {  	v49 =	vld [tilespmem:s20+$0x8500];
	v1 =	vadd.f32 v1, v3;
	v2 =	vadd.f32 v4, v2  }
0x8f: {  	v3 =	vld [tilespmem:s20+$0x8480]  }
0x90: {  	v50 =	vld [tilespmem:s20+$0x8580];
	v1 =	vadd.f32 v5, v1;
	v2 =	vadd.f32 v6, v2  }
0x91: {  	v51 =	vld [tilespmem:s20+$0x8600]  }
0x92: {  	v52 =	vld [tilespmem:s20+$0x8680];
	v1 =	vadd.f32 v7, v1;
	v2 =	vadd.f32 v8, v2  }
0x93: {  	v53 =	vld [tilespmem:s20+$0x8700]  }
0x94: {  	v54 =	vld [tilespmem:s20+$0x9400];
	v1 =	vadd.f32 v3, v1;
	v2 =	vadd.f32 v49, v2  }
0x95: {  	v3 =	vld [tilespmem:s20+$0x8780]  }
0x96: {  	v55 =	vld [tilespmem:s20+$0x9480];
	v1 =	vadd.f32 v50, v1;
	v2 =	vadd.f32 v51, v2  }
0x97: {  	v56 =	vld [tilespmem:s20+$0x9500]  }
0x98: {  	v57 =	vld [tilespmem:s20+$0x9580];
	v1 =	vadd.f32 v52, v1;
	v2 =	vadd.f32 v53, v2  }
0x99: {  	v58 =	vld [tilespmem:s20+$0x9600]  }
0x9a: {  	v59 =	vld [tilespmem:s20+$0x9700];
	v1 =	vadd.f32 v3, v1;
	v2 =	vadd.f32 v54, v2  }
0x9b: {  	v3 =	vld [tilespmem:s20+$0x9680]  }
0x9c: {  	v60 =	vld [tilespmem:s20+$0x9780];
	v1 =	vadd.f32 v55, v1;
	v2 =	vadd.f32 v56, v2  }
0x9d: {  	v61 =	vld [tilespmem:s20+$0xA400]  }
0x9e: {  	v62 =	vld [tilespmem:s20+$0xA480];
	v1 =	vadd.f32 v57, v1;
	v2 =	vadd.f32 v58, v2  }
0x9f: {  	v63 =	vld [tilespmem:s20+$0x7400]  }
0xa0: {  	v1 =	vadd.f32 v3, v1;
	v2 =	vadd.f32 v59, v2;
	_ =	sdelay $0x1  }
0xa1: {  	v1 =	vadd.f32 v60, v1;
	v2 =	vadd.f32 v61, v2;
	_ =	sdelay $0x1  }
0xa2: {  	v1 =	vadd.f32 v62, v1;
	v2 =	vadd.f32 v63, v2;
	_ =	sdelay $0x1  }
0xa3: {  	s31 =	simm.s32 $0x10;
	s22 =	simm.s32 $0x80;
	v1 =	vadd.f32 v2, v1  }
0xa4: {  	s23 =	sand.u32 $0xC00, s22;
	s21 =	sand.u32 $0x70, s31;
	s20 =	simm.s32 $0xB400  }
0xa5: {  	s21 =	sor.u32 s21, s23;
	s23 =	simm.s32 $0x20;
	[tilespmem:s20+$0x0] =	vst v1  }
.LBB2_8:
0xa6: {  	p0 =	sne.s32 s23, $0x1F0;
	v1 =	vld [tilespmem:s21+$0x7580]  }
0xa7: {  	v2 =	vld [tilespmem:s21+$0x7500]  }
0xa8: {  	v3 =	vld [tilespmem:s21+$0x7480]  }
0xa9: {  	v4 =	vld [tilespmem:s21+$0x7600]  }
0xaa: {  	v5 =	vld [tilespmem:s21+$0x7680]  }
0xab: {  	v6 =	vld [tilespmem:s21+$0x7700]  }
0xac: {  	v2 =	vadd.f32 v2, v0;
	v7 =	vld [tilespmem:s21+$0x7780]  }
0xad: {  	v8 =	vld [tilespmem:s21+$0x8400]  }
0xae: {  	v1 =	vadd.f32 v1, v3;
	v2 =	vadd.f32 v4, v2;
	v3 =	vld [tilespmem:s21+$0x8480]  }
0xaf: {  	v4 =	vld [tilespmem:s21+$0x8500]  }
0xb0: {  	v1 =	vadd.f32 v5, v1;
	v2 =	vadd.f32 v6, v2;
	v5 =	vld [tilespmem:s21+$0x8580]  }
0xb1: {  	v6 =	vld [tilespmem:s21+$0x8600]  }
0xb2: {  	v1 =	vadd.f32 v7, v1;
	v2 =	vadd.f32 v8, v2;
	v7 =	vld [tilespmem:s21+$0x8680]  }
0xb3: {  	v8 =	vld [tilespmem:s21+$0x8700]  }
0xb4: {  	v1 =	vadd.f32 v3, v1;
	v2 =	vadd.f32 v4, v2;
	v3 =	vld [tilespmem:s21+$0x8780]  }
0xb5: {  	v4 =	vld [tilespmem:s21+$0x9400]  }
0xb6: {  	v1 =	vadd.f32 v5, v1;
	v2 =	vadd.f32 v6, v2;
	v5 =	vld [tilespmem:s21+$0x9480]  }
0xb7: {  	v6 =	vld [tilespmem:s21+$0x9500]  }
0xb8: {  	v1 =	vadd.f32 v7, v1;
	v2 =	vadd.f32 v8, v2;
	v7 =	vld [tilespmem:s21+$0x9580]  }
0xb9: {  	v8 =	vld [tilespmem:s21+$0x9600]  }
0xba: {  	v1 =	vadd.f32 v3, v1;
	v2 =	vadd.f32 v4, v2;
	v3 =	vld [tilespmem:s21+$0x9680]  }
0xbb: {  	v4 =	vld [tilespmem:s21+$0x9700]  }
0xbc: {  	v1 =	vadd.f32 v5, v1;
	v2 =	vadd.f32 v6, v2;
	v5 =	vld [tilespmem:s21+$0x9780]  }
0xbd: {  	v6 =	vld [tilespmem:s21+$0xA400]  }
0xbe: {  	v1 =	vadd.f32 v7, v1;
	v2 =	vadd.f32 v8, v2;
	v7 =	vld [tilespmem:s21+$0xA480]  }
0xbf: {  	v8 =	vld [tilespmem:s21+$0x7400]  }
0xc0: {  	v1 =	vadd.f32 v3, v1;
	v2 =	vadd.f32 v4, v2;
	_ =	sdelay $0x1  }
0xc1: {  	v1 =	vadd.f32 v5, v1;
	v2 =	vadd.f32 v6, v2;
	_ =	sdelay $0x1  }
.Ltmp3:
0xc2: {  	v1 =	vadd.f32 v7, v1;
	v2 =	vadd.f32 v8, v2;
	(pc) =	sbr.rel @p0 .LBB2_8-.Ltmp3, $4  }
0xc3: {  	_ = 	snop  }
0xc4: {  	s22 =	sadd.s32 $0x80, s22;
	v1 =	vadd.f32 v2, v1  }
0xc5: {  	s20 =	sadd.s32 $0x10, s20;
	s24 =	sand.u32 $0xC00, s22;
	s21 =	sand.u32 $0x70, s23  }
0xc6: {  	s23 =	sadd.s32 $0x10, s23;
	s21 =	sor.u32 s21, s24;
	[tilespmem:s20+$0x0] =	vst v1  }
0xc7: {  	v1 =	vld [tilespmem:s21+$0x7580]  }
0xc8: {  	v2 =	vld [tilespmem:s21+$0x7500]  }
0xc9: {  	v3 =	vld [tilespmem:s21+$0x7480]  }
0xca: {  	v4 =	vld [tilespmem:s21+$0x7600]  }
0xcb: {  	v5 =	vld [tilespmem:s21+$0x7680]  }
0xcc: {  	v6 =	vld [tilespmem:s21+$0x7700]  }
0xcd: {  	v45 =	vld [tilespmem:s21+$0x7780];
	v0 =	vadd.f32 v2, v0  }
0xce: {  	v7 =	vld [tilespmem:s21+$0x8400]  }
0xcf: {  	v46 =	vld [tilespmem:s21+$0x8480];
	v1 =	vadd.f32 v1, v3;
	v0 =	vadd.f32 v4, v0  }
0xd0: {  	v47 =	vld [tilespmem:s21+$0x8500]  }
0xd1: {  	v48 =	vld [tilespmem:s21+$0x8580];
	v1 =	vadd.f32 v5, v1;
	v0 =	vadd.f32 v6, v0  }
0xd2: {  	v49 =	vld [tilespmem:s21+$0x8600]  }
0xd3: {  	v50 =	vld [tilespmem:s21+$0x8680];
	v1 =	vadd.f32 v45, v1;
	v0 =	vadd.f32 v7, v0  }
0xd4: {  	v51 =	vld [tilespmem:s21+$0x8700]  }
0xd5: {  	v52 =	vld [tilespmem:s21+$0x8780];
	v1 =	vadd.f32 v46, v1;
	v0 =	vadd.f32 v47, v0  }
0xd6: {  	v53 =	vld [tilespmem:s21+$0x9400]  }
0xd7: {  	v54 =	vld [tilespmem:s21+$0x9480];
	v1 =	vadd.f32 v48, v1;
	v0 =	vadd.f32 v49, v0  }
0xd8: {  	v55 =	vld [tilespmem:s21+$0x9500]  }
0xd9: {  	v56 =	vld [tilespmem:s21+$0x9580];
	v1 =	vadd.f32 v50, v1;
	v0 =	vadd.f32 v51, v0  }
0xda: {  	v57 =	vld [tilespmem:s21+$0x9600]  }
0xdb: {  	v58 =	vld [tilespmem:s21+$0x9680];
	v1 =	vadd.f32 v52, v1;
	v0 =	vadd.f32 v53, v0  }
0xdc: {  	v59 =	vld [tilespmem:s21+$0x9700]  }
0xdd: {  	v60 =	vld [tilespmem:s21+$0x9780];
	v1 =	vadd.f32 v54, v1;
	v0 =	vadd.f32 v55, v0  }
0xde: {  	v61 =	vld [tilespmem:s21+$0xA400]  }
0xdf: {  	v62 =	vld [tilespmem:s21+$0xA480];
	v1 =	vadd.f32 v56, v1;
	v0 =	vadd.f32 v57, v0  }
0xe0: {  	v63 =	vld [tilespmem:s21+$0x7400]  }
0xe1: {  	v1 =	vadd.f32 v58, v1;
	v0 =	vadd.f32 v59, v0;
	_ =	sdelay $0x1  }
0xe2: {  	v1 =	vadd.f32 v60, v1;
	v0 =	vadd.f32 v61, v0;
	_ =	sdelay $0x1  }
0xe3: {  	v1 =	vadd.f32 v62, v1;
	v0 =	vadd.f32 v63, v0;
	_ =	sdelay $0x1  }
0xe4: {  	s19 =	sadd.s32 $0x1, s19;
	v0 =	vadd.f32 v0, v1  }
0xe5: {  	s20 =	sadd.s32 $0x10, s20;
	p0 =	sne.s32 s19, s9  }
.Ltmp4:
0xe6: {  	[tilespmem:s20+$0x0] =	vst v0;
	(pc) =	sbr.rel @p0 .LBB2_1-.Ltmp4, $4  }
0xe7: {  	[hbm4b:s8+s4] =	stream.linear.scatter [tilespmem:s18], [sflag:$0x3], $0x200, $0x38;
	[tilespmem:$0x1AAA8] =	vst v63  }
0xe8: {  	_ =	swait.ge [sflag:s13], $0x200  }
0xe9: {  	[sflag:s13] =	ssyncset.done $0x0  }
0xea: {  	[sflag:s13] =	ssyncadd.s32 $0xFFFFFE00  }
0xeb: {  	_ =	sfence.sel $0x180000  }
0xec: {  	[bflag:$0x0] =	sbarrier.arrive $0xFFFF  }
0xed: {  	p0 =	sne.s32 s0, $0x0;
	_ =	strace $0x90000047  }
0xee: {  	s0 =	sadd.s32 @!p0 $0x100000, s2;
	[bflag:$0x2] =	sbarrier.arrive $0xFFFF  }
0xef: {  	[sflag:s0] =	ssyncadd.tile.s32 @!p0 $0x1;
	_ =	shalt  }
.Lfunc_end2:
_tile_overlayer_lowered:
.L_overlay_start_2:
0xf0: {  	(tag) =	ssettag $0x2  }
0xf1: {  	s0 =	rddreg [dreg:$0x0];
	s2 =	stileid.u32  }
0xf2: {  	s1 =	rddreg [dreg:$0x1];
	p0 =	sne.s32 s2, $0x0  }
0xf3: {  	s3 =	rddreg [dreg:$0x2];
	[bflag:$0x3] =	sbarrier.arrive $0xFFFF;
	s2 =	simm.s32 @!p0 $0x1C03  }
0xf4: {  	[timem:s3], [sflag:s2] =	dma.local @!p0 [hbm:s0], s1  }
0xf5: {  	s0 =	simm.s32 @!p0 $0x3  }
0xf6: {  	_ =	swait.ge @!p0 [sflag:s0], s1  }
0xf7: {  	s1 =	ssub.s32 @!p0 $0x0, s1;
	[sflag:s0] =	ssyncset.done @!p0 $0x0  }
0xf8: {  	[sflag:s0] =	ssyncadd.s32 @!p0 s1  }
0xf9: {  	[bflag:$0x3] =	sbarrier.arrive $0xFFFF  }
0xfa: {  	_ =	shalt  }

</sc_bundles>
